<compile_context>
chip_gen: v7x
topology: tpu7x:2x2x1
jax: 0.10.2.dev20260603
libtpu: 0.0.44.dev20260713+nightly
codegen_flags: <defaults>
</compile_context>

<pallas_src>
import functools

import jax
import jax.numpy as jnp
from jax import lax
from jax.experimental import pallas as pl
from jax.experimental.pallas import tpu as pltpu
from jax.experimental.pallas import tpu_sc as plsc

_SOFT_DIM = 64


def kernel(z):
    B, _, N = z.shape
    P = B * N
    info = plsc.get_sparse_core_info()
    NW = info.num_cores * info.num_subcores
    CH = P // NW
    zf = z.reshape(P)

    mesh = plsc.VectorSubcoreMesh(core_axis_name="c", subcore_axis_name="s")

    @functools.partial(
        pl.kernel,
        mesh=mesh,
        out_type=jax.ShapeDtypeStruct((B * _SOFT_DIM * N,), jnp.float32),
        scratch_types=[
            pltpu.VMEM((CH,), jnp.float32),
            pltpu.VMEM((CH,), jnp.float32),
        ],
    )
    def sc_kernel(z_hbm, out_hbm, zv, rowv):
        c = lax.axis_index("c")
        s = lax.axis_index("s")
        wid = s * info.num_cores + c
        base = wid * CH
        b = base // N
        n0 = base % N
        pltpu.sync_copy(z_hbm.at[pl.ds(base, CH)], zv)

        def norm_body(i, carry):
            x = zv[pl.ds(i * 16, 16)]
            zv[pl.ds(i * 16, 16)] = (jnp.clip(x, -1.0, 1.0) + 1.0) * (
                0.5 * (_SOFT_DIM - 1)
            )
            return carry

        lax.fori_loop(0, CH // 16, norm_body, 0)

        def d_body(d, carry):
            df = d.astype(jnp.float32)

            def c_body(i, inner):
                zn = zv[pl.ds(i * 16, 16)]
                rowv[pl.ds(i * 16, 16)] = 1.0 - jnp.abs(
                    jnp.clip(zn - df, -1.0, 1.0)
                )
                return inner

            lax.fori_loop(0, CH // 16, c_body, 0)
            dst = (b * _SOFT_DIM + d) * N + n0
            pltpu.sync_copy(rowv, out_hbm.at[pl.ds(dst, CH)])
            return carry

        lax.fori_loop(0, _SOFT_DIM, d_body, 0)

    out = sc_kernel(zf)
    return out.reshape(B, _SOFT_DIM, N)

# --- scband reference (transcript-rebuilt; emitter-appended) ---
"""Pipeline reference for scband-depth-normalizer-11467562680884 (READ-ONLY COPY).

The authoritative reference and input builder live on the scoring server;
editing this copy changes nothing except your own understanding.
"""

import jax, jax.numpy as jnp
import numpy as np

SOFT_DIM = 64


def setup_inputs(seed: int = 0) -> dict:
    key = jax.random.key(seed)
    z = jax.random.normal(key, (4, 1, 131072), dtype=jnp.float32)
    return {"z": z}


def reference(z):
    # DepthNormalizer.forward with opt.soft_onehot=True, opt.soft_dim=64
    B, _, N = z.shape
    soft_dim = SOFT_DIM
    z_norm = (jnp.clip(z, -1.0, 1.0) + 1.0) / 2.0 * (soft_dim - 1)
    z_floor = jnp.floor(z_norm)
    z_ceil = jnp.ceil(z_norm)
    z_floor_value = 1.0 - (z_norm - z_floor)
    z_ceil_value = 1.0 - (z_ceil - z_norm)
    b_idx = jnp.arange(B)[:, None, None]
    n_idx = jnp.arange(N)[None, None, :]
    floor_idx = z_floor.astype(jnp.int32)
    ceil_idx = z_ceil.astype(jnp.int32)
    z_feat = jnp.zeros((B, soft_dim, N), dtype=z.dtype)
    # torch scatter(dim=1, index, src) with overwrite semantics; index has extent 1
    # along dim=1 so there are no duplicate writes within a single scatter.
    z_feat = z_feat.at[b_idx, floor_idx, n_idx].set(z_floor_value)
    z_feat = z_feat.at[b_idx, ceil_idx, n_idx].set(z_ceil_value)
    return z_feat

if __name__ == "__main__":
    import jax
    _d = setup_inputs()
    print(jax.jit(kernel)(*tuple(_d.values())))

</pallas_src>

<mosaic_0001>
#map = affine_map<(d0, d1) -> (0)>
module attributes {stable_mosaic.version = 14 : i64} {
  func.func @sc_kernel(%arg0: i32, %arg1: i32, %arg2: memref<524288xf32, #tpu.memory_space<hbm>>, %arg3: memref<33554432xf32, #tpu.memory_space<hbm>>, %arg4: memref<16384xf32, #tpu.memory_space<vmem>>, %arg5: memref<16384xf32, #tpu.memory_space<vmem>>) attributes {dimension_semantics = [#tpu.dimension_semantics<core_parallel>, #tpu.dimension_semantics<subcore_parallel>], iteration_bounds = array<i64: 2, 16>, scalar_prefetch = 0 : i64, scratch_operands = 2 : i64, tpu.core_type = #tpu.core_type<sc_vector_subcore>, window_params = [{transform_indices = #map}, {transform_indices = #map}]} {
    %mul3A = arith.constant 2 : i32
    %mul3A_0 = arith.muli %arg1, %mul3A : i32
    %add3A = arith.addi %mul3A_0, %arg0 : i32
    %mul3A_1 = arith.constant 16384 : i32
    %mul3A_2 = arith.muli %add3A, %mul3A_1 : i32
    %jit3A = arith.constant 131072 : i32
    %div3A = arith.divsi %mul3A_2, %jit3A : i32
    %sign3A = arith.constant 0 : i32
    %sign3A_3 = arith.cmpi sgt, %mul3A_2, %sign3A : i32
    %sign3A_4 = arith.extui %sign3A_3 : i1 to i32
    %sign3A_5 = arith.constant 0 : i32
    %sign3A_6 = arith.cmpi slt, %mul3A_2, %sign3A_5 : i32
    %sign3A_7 = arith.extui %sign3A_6 : i1 to i32
    %sign3A_8 = arith.subi %sign3A_4, %sign3A_7 : i32
    %sign3A_9 = arith.constant 0 : i32
    %sign3A_10 = arith.cmpi sgt, %jit3A, %sign3A_9 : i32
    %sign3A_11 = arith.extui %sign3A_10 : i1 to i32
    %sign3A_12 = arith.constant 0 : i32
    %sign3A_13 = arith.cmpi slt, %jit3A, %sign3A_12 : i32
    %sign3A_14 = arith.extui %sign3A_13 : i1 to i32
    %sign3A_15 = arith.subi %sign3A_11, %sign3A_14 : i32
    %ne3A = arith.cmpi ne, %sign3A_8, %sign3A_15 : i32
    %rem3A = arith.remsi %mul3A_2, %jit3A : i32
    %ne3A_16 = arith.constant 0 : i32
    %ne3A_17 = arith.cmpi ne, %rem3A, %ne3A_16 : i32
    %and3A = arith.andi %ne3A, %ne3A_17 : i1
    %sub3A = arith.constant 1 : i32
    %sub3A_18 = arith.subi %div3A, %sub3A : i32
    %select_n3A = arith.select %and3A, %sub3A_18, %div3A : i32
    %jit3A_19 = arith.constant 131072 : i32
    %eq3A = arith.constant 0 : i32
    %eq3A_20 = arith.cmpi eq, %jit3A_19, %eq3A : i32
    %jit3A_21 = arith.constant 1 : i32
    %select_n3A_22 = arith.select %eq3A_20, %jit3A_21, %jit3A_19 : i32
    %rem3A_23 = arith.remsi %mul3A_2, %select_n3A_22 : i32
    %ne3A_24 = arith.constant 0 : i32
    %ne3A_25 = arith.cmpi ne, %rem3A_23, %ne3A_24 : i32
    %lt3A = arith.constant 0 : i32
    %lt3A_26 = arith.cmpi slt, %rem3A_23, %lt3A : i32
    %lt3A_27 = arith.constant 0 : i32
    %lt3A_28 = arith.cmpi slt, %select_n3A_22, %lt3A_27 : i32
    %ne3A_29 = arith.xori %lt3A_26, %lt3A_28 : i1
    %and3A_30 = arith.andi %ne3A_29, %ne3A_25 : i1
    %add3A_31 = arith.addi %rem3A_23, %select_n3A_22 : i32
    %select_n3A_32 = arith.select %and3A_30, %add3A_31, %rem3A_23 : i32
    "tpu.region"() ({
      %run_scoped3A = tpu.sem_alloc : memref<!tpu.dma_semaphore, #tpu.memory_space<semaphore_mem>>
      %dma_start3A = tpu.memref_slice %arg2[%mul3A_2] : memref<524288xf32, #tpu.memory_space<hbm>> -> memref<16384xf32, #tpu.memory_space<hbm>>
      %dma_start3A_44 = tpu.memref_slice %arg2[%mul3A_2] : memref<524288xf32, #tpu.memory_space<hbm>> -> memref<16384xf32, #tpu.memory_space<hbm>>
      tpu.enqueue_dma source(%dma_start3A_44 : memref<16384xf32, #tpu.memory_space<hbm>>) target(%arg4 : memref<16384xf32, #tpu.memory_space<vmem>>) target_semaphore(%run_scoped3A : memref<!tpu.dma_semaphore, #tpu.memory_space<semaphore_mem>>)
      %dma_wait3A = tpu.memref_slice %arg2[%mul3A_2] : memref<524288xf32, #tpu.memory_space<hbm>> -> memref<16384xf32, #tpu.memory_space<hbm>>
      %dma_wait3A_45 = tpu.memref_slice %arg2[%mul3A_2] : memref<524288xf32, #tpu.memory_space<hbm>> -> memref<16384xf32, #tpu.memory_space<hbm>>
      tpu.wait_dma2 semaphore(%run_scoped3A : memref<!tpu.dma_semaphore, #tpu.memory_space<semaphore_mem>>) src(%dma_wait3A_45 : memref<16384xf32, #tpu.memory_space<hbm>>) dst(%arg4 : memref<16384xf32, #tpu.memory_space<vmem>>)
      tpu.yield
    }) : () -> ()
    %scan3A = arith.constant 0 : i32
    %scan3A_33 = arith.constant 0 : i32
    %scan3A_34 = arith.constant 1024 : i32
    %scan3A_35 = arith.addi %scan3A_33, %scan3A_34 : i32
    %scan3A_36 = arith.constant 1 : i32
    scf.for %scan3A_44 = %scan3A_33 to %scan3A_35 step %scan3A_36  : i32 {
      %mul3A_45 = arith.constant 16 : i32
      %mul3A_46 = arith.muli %scan3A_44, %mul3A_45 : i32
      %get3A = arith.index_cast %mul3A_46 : i32 to index
      %get3A_47 = tpu.vector_load %arg4[%get3A] {strides = array<i32>} : memref<16384xf32, #tpu.memory_space<vmem>>, vector<16xf32>,
      %get3A_48 = vector.shape_cast %get3A_47 : vector<16xf32> to vector<16xf32>
      %jit3A_49 = arith.constant -1.000000e+00 : f32
      %jit3A_50 = arith.constant 1.000000e+00 : f32
      %max3A = vector.broadcast %jit3A_49 : f32 to vector<16xf32>
      %max3A_51 = arith.maximumf %max3A, %get3A_48 : vector<16xf32>
      %min3A = vector.broadcast %jit3A_50 : f32 to vector<16xf32>
      %min3A_52 = arith.minimumf %min3A, %max3A_51 : vector<16xf32>
      %add3A_53 = arith.constant 1.000000e+00 : f32
      %add3A_54 = vector.broadcast %add3A_53 : f32 to vector<16xf32>
      %add3A_55 = arith.addf %min3A_52, %add3A_54 : vector<16xf32>
      %mul3A_56 = arith.constant 3.150000e+01 : f32
      %mul3A_57 = vector.broadcast %mul3A_56 : f32 to vector<16xf32>
      %mul3A_58 = arith.mulf %add3A_55, %mul3A_57 : vector<16xf32>
      %mul3A_59 = arith.constant 16 : i32
      %mul3A_60 = arith.muli %scan3A_44, %mul3A_59 : i32
      %swap3A = arith.index_cast %mul3A_60 : i32 to index
      %swap3A_61 = tpu.vector_load %arg4[%swap3A] {strides = array<i32>} : memref<16384xf32, #tpu.memory_space<vmem>>, vector<16xf32>,
      %swap3A_62 = vector.shape_cast %swap3A_61 : vector<16xf32> to vector<16xf32>
      %swap3A_63 = vector.shape_cast %mul3A_58 : vector<16xf32> to vector<16xf32>
      tpu.vector_store %arg4[%swap3A], %swap3A_63 {strides = array<i32>} : memref<16384xf32, #tpu.memory_space<vmem>>, vector<16xf32>,
    }
    %scan3A_37 = arith.constant 1024 : i32
    %scan3A_38 = arith.constant 0 : i32
    %scan3A_39 = arith.constant 0 : i32
    %scan3A_40 = arith.constant 64 : i32
    %scan3A_41 = arith.addi %scan3A_39, %scan3A_40 : i32
    %scan3A_42 = arith.constant 1 : i32
    scf.for %scan3A_44 = %scan3A_39 to %scan3A_41 step %scan3A_42  : i32 {
      %convert_element_type3A = arith.sitofp %scan3A_44 : i32 to f32
      %scan3A_45 = arith.constant 0 : i32
      %scan3A_46 = arith.constant 0 : i32
      %scan3A_47 = arith.constant 1024 : i32
      %scan3A_48 = arith.addi %scan3A_46, %scan3A_47 : i32
      %scan3A_49 = arith.constant 1 : i32
      scf.for %scan3A_57 = %scan3A_46 to %scan3A_48 step %scan3A_49  : i32 {
        %mul3A_58 = arith.constant 16 : i32
        %mul3A_59 = arith.muli %scan3A_57, %mul3A_58 : i32
        %get3A = arith.index_cast %mul3A_59 : i32 to index
        %get3A_60 = tpu.vector_load %arg4[%get3A] {strides = array<i32>} : memref<16384xf32, #tpu.memory_space<vmem>>, vector<16xf32>,
        %get3A_61 = vector.shape_cast %get3A_60 : vector<16xf32> to vector<16xf32>
        %sub3A_62 = vector.broadcast %convert_element_type3A : f32 to vector<16xf32>
        %sub3A_63 = arith.subf %get3A_61, %sub3A_62 : vector<16xf32>
        %jit3A_64 = arith.constant -1.000000e+00 : f32
        %jit3A_65 = arith.constant 1.000000e+00 : f32
        %max3A = vector.broadcast %jit3A_64 : f32 to vector<16xf32>
        %max3A_66 = arith.maximumf %max3A, %sub3A_63 : vector<16xf32>
        %min3A = vector.broadcast %jit3A_65 : f32 to vector<16xf32>
        %min3A_67 = arith.minimumf %min3A, %max3A_66 : vector<16xf32>
        %abs3A = math.absf %min3A_67 : vector<16xf32>
        %sub3A_68 = arith.constant 1.000000e+00 : f32
        %sub3A_69 = vector.broadcast %sub3A_68 : f32 to vector<16xf32>
        %sub3A_70 = arith.subf %sub3A_69, %abs3A : vector<16xf32>
        %mul3A_71 = arith.constant 16 : i32
        %mul3A_72 = arith.muli %scan3A_57, %mul3A_71 : i32
        %swap3A = arith.index_cast %mul3A_72 : i32 to index
        %swap3A_73 = tpu.vector_load %arg5[%swap3A] {strides = array<i32>} : memref<16384xf32, #tpu.memory_space<vmem>>, vector<16xf32>,
        %swap3A_74 = vector.shape_cast %swap3A_73 : vector<16xf32> to vector<16xf32>
        %swap3A_75 = vector.shape_cast %sub3A_70 : vector<16xf32> to vector<16xf32>
        tpu.vector_store %arg5[%swap3A], %swap3A_75 {strides = array<i32>} : memref<16384xf32, #tpu.memory_space<vmem>>, vector<16xf32>,
      }
      %scan3A_50 = arith.constant 1024 : i32
      %mul3A_51 = arith.constant 64 : i32
      %mul3A_52 = arith.muli %select_n3A, %mul3A_51 : i32
      %add3A_53 = arith.addi %mul3A_52, %scan3A_44 : i32
      %mul3A_54 = arith.constant 131072 : i32
      %mul3A_55 = arith.muli %add3A_53, %mul3A_54 : i32
      %add3A_56 = arith.addi %mul3A_55, %select_n3A_32 : i32
      "tpu.region"() ({
        %run_scoped3A = tpu.sem_alloc : memref<!tpu.dma_semaphore, #tpu.memory_space<semaphore_mem>>
        %dma_start3A = tpu.memref_slice %arg3[%add3A_56] : memref<33554432xf32, #tpu.memory_space<hbm>> -> memref<16384xf32, #tpu.memory_space<hbm>>
        %dma_start3A_57 = tpu.memref_slice %arg3[%add3A_56] : memref<33554432xf32, #tpu.memory_space<hbm>> -> memref<16384xf32, #tpu.memory_space<hbm>>
        tpu.enqueue_dma source(%arg5 : memref<16384xf32, #tpu.memory_space<vmem>>) target(%dma_start3A_57 : memref<16384xf32, #tpu.memory_space<hbm>>) target_semaphore(%run_scoped3A : memref<!tpu.dma_semaphore, #tpu.memory_space<semaphore_mem>>)
        %dma_wait3A = tpu.memref_slice %arg3[%add3A_56] : memref<33554432xf32, #tpu.memory_space<hbm>> -> memref<16384xf32, #tpu.memory_space<hbm>>
        %dma_wait3A_58 = tpu.memref_slice %arg3[%add3A_56] : memref<33554432xf32, #tpu.memory_space<hbm>> -> memref<16384xf32, #tpu.memory_space<hbm>>
        tpu.wait_dma2 semaphore(%run_scoped3A : memref<!tpu.dma_semaphore, #tpu.memory_space<semaphore_mem>>) src(%arg5 : memref<16384xf32, #tpu.memory_space<vmem>>) dst(%dma_wait3A_58 : memref<16384xf32, #tpu.memory_space<hbm>>)
        tpu.yield
      }) : () -> ()
    }
    %scan3A_43 = arith.constant 64 : i32
    return
  }
}

</mosaic_0001>

<sc_bundles>
// kernel: kernel.3.cloned.1.call-start
scs
__scs_entry_jumppad:
0x0: {  	(pc) =	sbr.rel $0x88, $3  }
0x1: {  	(tag) =	ssettag $0x0;
	lr =	simm.s32 $0x1  }
0x2: {  	[smem:$0x3FA0] =	sst lr;
	_ =	strace $0xD0000000  }
0x3: {  	_ = 	snop  }
0x4: {  	_ = 	snop  }
0x5: {  	_ = 	snop  }
0x6: {  	_ = 	snop  }
0x7: {  	_ = 	snop  }
__scs_overlays_trampoline_lowered:
0x8: {  	[smem:$0x3FAF] =	sst s0  }
0x9: {  	[smem:$0x3FB0] =	sst s1  }
0xa: {  	[smem:$0x3FB1] =	sst s2  }
0xb: {  	[smem:$0x3FB2] =	sst s3  }
0xc: {  	[smem:$0x3FB3] =	sst s4  }
0xd: {  	[smem:$0x3FB4] =	sst s5  }
0xe: {  	[smem:$0x3FB5] =	sst s6  }
0xf: {  	[smem:$0x3FB6] =	sst s7  }
0x10: {  	[smem:$0x3FB7] =	sst s8  }
0x11: {  	[smem:$0x3FB8] =	sst s9;
	s0 =	simm.s32 @!p0 $0x0  }
0x12: {  	s1 =	sld [smem:$0x3F9E];
	s0 =	simm.s32 @p0 $0x1  }
0x13: {  	[smem:$0x3FB9] =	sst s0;
	s0 =	simm.s32 @!p1 $0x0  }
0x14: {  	s2 =	sld [smem:$0x3F9D];
	s0 =	simm.s32 @p1 $0x1  }
0x15: {  	[smem:$0x3FBA] =	sst s0;
	s0 =	simm.s32 @!p2 $0x0  }
0x16: {  	s3 =	sld [smem:$0x3FDB];
	s0 =	simm.s32 @p2 $0x1  }
0x17: {  	s4 =	simm.s32 $0x1BF5;
	[smem:$0x3FBC] =	sst s0  }
0x18: {  	s0 =	sld [smem:$0x3F9F];
	_ =	swait.ge [sflag:s4], $0x0  }
0x19: {  	s7 =	sld [smem:$0x3FA0]  }
0x1a: {  	s8 =	sadd.s32 $0xFFFFE003, lr  }
0x1b: {  	s9 =	sadd.s32 $0xFFFFFEF7, lr;
	s5 =	simm.s32 $0xFFFFFFFF;
	p2 =	slt.u32 s8, $0xFFFFF086  }
0x1c: {  	p1 =	slt.u32 s9, $0xF7A;
	s5 =	simm.s32 @!p2 $0x0  }
0x1d: {  	s5 =	simm.s32 @p1 $0x1;
	p0 =	seq.s32 s7, s2  }
0x1e: {  	s7 =	smul.u32 @!p0 $0xF7A, s2;
	p2 =	seq.s32 @!p0 s5, $0x0  }
0x1f: {  	s9 =	smul.u32 $0xF7A, s1;
	s8 =	simm.s32 @!p0 $0x1BF5;
	p2 =	por !p2, p0  }
0x20: {  	[sflag:s8] =	ssyncset.s32 @!p0 $0xFFFFF086;
	s6 =	sadd.s32 @!p0 s3, s7;
	s7 =	simm.s32 @!p0 $0x108  }
0x21: {  	s3 =	sadd.s32 s3, s9;
	s6 =	sadd.s32 @!p0 $0x88, s6;
	s7 =	simm.s32 @p2 $0x1082  }
0x22: {  	[simem:s7], [sflag:s8] =	dma.local @!p0 [hbm:s6], $0xF7A  }
0x23: {  	s9 =	sor.u32 $0xD0000000, s2;
	s6 =	simm.s32 $0x108;
	_ =	swait.ge @!p0 [sflag:s8], $0x0  }
0x24: {  	s3 =	sadd.s32 $0x88, s3;
	s6 =	simm.s32 @!p1 $0x1082;
	[sflag:s4] =	ssyncset.s32 $0xFFFFF086  }
0x25: {  	[simem:s6], [sflag:s4] =	dma.local [hbm:s3], $0xF7A  }
0x26: {  	[smem:$0x3FA0] =	sst s1;
	(tag) =	ssettag s2;
	_ =	strace s9  }
0x27: {  	s1 =	sld [smem:$0x3FB0]  }
0x28: {  	s2 =	sld [smem:$0x3FB1]  }
0x29: {  	s4 =	sld [smem:$0x3FB3]  }
0x2a: {  	p0 =	seq.s32 s5, $0x0;
	s5 =	sld [smem:$0x3FB4]  }
0x2b: {  	s6 =	sld [smem:$0x3FB5]  }
0x2c: {  	s7 =	sld [smem:$0x3FB6]  }
0x2d: {  	s3 =	simm.s32 $0x108;
	s8 =	sld [smem:$0x3FB7]  }
0x2e: {  	s3 =	simm.s32 @!p0 $0x1082;
	s9 =	sld [smem:$0x3FB8]  }
0x2f: {  	lr =	sadd.s32 s0, s3;
	s0 =	sld [smem:$0x3FAF]  }
0x30: {  	s3 =	sld [smem:$0x3FB2]  }
0x31: {  	[smem:$0x3FBB] =	sst s10  }
0x32: {  	s10 =	sld [smem:$0x3FB9];
	_ =	sdelay $0x3  }
0x33: {  	p0 =	seq.s32 s10, $0x1;
	s10 =	sld [smem:$0x3FBB];
	_ =	sdelay $0x3  }
0x34: {  	[smem:$0x3FBB] =	sst s10  }
0x35: {  	s10 =	sld [smem:$0x3FBA];
	_ =	sdelay $0x3  }
0x36: {  	p1 =	seq.s32 s10, $0x1;
	s10 =	sld [smem:$0x3FBB];
	_ =	sdelay $0x3  }
0x37: {  	[smem:$0x3FBB] =	sst s10  }
0x38: {  	s10 =	sld [smem:$0x3FBC]  }
0x39: {  	_ = 	snop;
	(pc) =	sbr.ind lr, $3  }
0x3a: {  	_ = 	snop  }
0x3b: {  	_ = 	snop  }
0x3c: {  	p2 =	seq.s32 s10, $0x1;
	s10 =	sld [smem:$0x3FBB]  }
0x3d: {  	_ =	shalt  }
0x3e: {  	_ =	shalt  }
0x3f: {  	_ =	shalt  }
0x40: {  	_ =	shalt  }
0x41: {  	_ =	shalt  }
0x42: {  	_ =	shalt  }
0x43: {  	_ =	shalt  }
0x44: {  	_ =	shalt  }
0x45: {  	_ =	shalt  }
0x46: {  	_ =	shalt  }
0x47: {  	_ =	shalt  }
0x48: {  	_ =	shalt  }
0x49: {  	_ =	shalt  }
0x4a: {  	_ =	shalt  }
0x4b: {  	_ =	shalt  }
0x4c: {  	_ =	shalt  }
0x4d: {  	_ =	shalt  }
0x4e: {  	_ =	shalt  }
0x4f: {  	_ =	shalt  }
0x50: {  	_ =	shalt  }
0x51: {  	_ =	shalt  }
0x52: {  	_ =	shalt  }
0x53: {  	_ =	shalt  }
0x54: {  	_ =	shalt  }
0x55: {  	_ =	shalt  }
0x56: {  	_ =	shalt  }
0x57: {  	_ =	shalt  }
0x58: {  	_ =	shalt  }
0x59: {  	_ =	shalt  }
0x5a: {  	_ =	shalt  }
0x5b: {  	_ =	shalt  }
0x5c: {  	_ =	shalt  }
0x5d: {  	_ =	shalt  }
0x5e: {  	_ =	shalt  }
0x5f: {  	_ =	shalt  }
0x60: {  	_ =	shalt  }
0x61: {  	_ =	shalt  }
0x62: {  	_ =	shalt  }
0x63: {  	_ =	shalt  }
0x64: {  	_ =	shalt  }
0x65: {  	_ =	shalt  }
0x66: {  	_ =	shalt  }
0x67: {  	_ =	shalt  }
0x68: {  	_ =	shalt  }
0x69: {  	_ =	shalt  }
0x6a: {  	_ =	shalt  }
0x6b: {  	_ =	shalt  }
0x6c: {  	_ =	shalt  }
0x6d: {  	_ =	shalt  }
0x6e: {  	_ =	shalt  }
0x6f: {  	_ =	shalt  }
0x70: {  	_ =	shalt  }
0x71: {  	_ =	shalt  }
0x72: {  	_ =	shalt  }
0x73: {  	_ =	shalt  }
0x74: {  	_ =	shalt  }
0x75: {  	_ =	shalt  }
0x76: {  	_ =	shalt  }
0x77: {  	_ =	shalt  }
0x78: {  	_ =	shalt  }
0x79: {  	_ =	shalt  }
0x7a: {  	_ =	shalt  }
0x7b: {  	_ =	shalt  }
0x7c: {  	_ =	shalt  }
0x7d: {  	_ =	shalt  }
0x7e: {  	_ =	shalt  }
0x7f: {  	_ =	shalt  }
0x80: {  	_ =	shalt  }
0x81: {  	_ =	shalt  }
0x82: {  	_ =	shalt  }
0x83: {  	_ =	shalt  }
0x84: {  	_ =	shalt  }
0x85: {  	_ =	shalt  }
0x86: {  	_ =	shalt  }
0x87: {  	_ =	shalt  }
.Lfunc_end0:
.L_simem_size_0:
called_computation_lowered:
.L_overlay_start_0:
0x88: {  	s2 =	sld [smem:$0x3FD9]  }
0x89: {  	s3 =	sld [smem:$0x3FFE];
	_ =	sdelay $0x1  }
0x8a: {  	s1 =	srdreg.scid  }
0x8b: {  	s0 =	sand.u32 $0x1, s1  }
0x8c: {  	s17 =	sshll.u32 s0, $0xA;
	s2 =	sadd.s32 s3, s2  }
0x8d: {  	s2 =	sadd.s32 s2, s17  }
0x8e: {  	[smem:$0x3FC7] =	sst s2  }
0x8f: {  	_ = 	snop  }
0x90: {  	s2 =	sld [smem:$0x3FC9];
	(tm) =	ssettm $0x1  }
0x91: {  	s18 =	sld [smem:$0x3FFB];
	_ =	sdelay $0x3  }
0x92: {  	_ =	strace s18  }
0x93: {  	s3 =	sld [smem:$0x3FFC];
	_ =	sdelay $0x3  }
0x94: {  	_ =	strace s3  }
0x95: {  	s3 =	sld [smem:$0x3FFD];
	_ =	sdelay $0x3  }
0x96: {  	_ =	strace s3  }
0x97: {  	_ =	strace $0x8FFFFFFF  }
0x98: {  	s19 =	sld [smem:$0x3FDB];
	_ =	sdelay $0x1  }
0x99: {  	s4 =	simm.s32 $_scs_section_size  }
0x9a: {  	s5 =	simm.s32 $_size__tile_overlayer_lowered;
	s6 =	simm.s32 $_tile_overlayer_lowered  }
0x9b: {  	s22 =	simm.s32 $0x1BFF;
	s21 =	sshll.u32 s6, $0x1;
	s3 =	sadd.s32 s4, s19  }
0x9c: {  	s7 =	simm.s32 $0x0;
	s20 =	sshll.u32 s5, $0x1;
	s5 =	sadd.s32 s21, s3  }
0x9d: {  	[timem:s7], [sflag:s22] =	dma.local [hbm:s5], s20  }
0x9e: {  	_ =	swait.ge [sflag:s22], s20  }
0x9f: {  	s4 =	ssub.s32 $0x0, s20;
	[sflag:s22] =	ssyncset.done $0x0  }
0xa0: {  	[sflag:s22] =	ssyncadd.s32 s4;
	_ =	sdelay $0x1  }
0xa1: {  	s23 =	simm.s32 $0x1B8B  }
0xa2: {  	_ =	swait.ge [sflag:s23], $0x1  }
0xa3: {  	[sflag:s23] =	ssyncset.done $0x0  }
0xa4: {  	s25 =	simm.s32 $0x1B8E;
	s24 =	sld [smem:$0x3FFE];
	[sflag:s23] =	ssyncadd.s32 $0xFFFFFFFF  }
0xa5: {  	s26 =	simm.s32 $execute0_lowered;
	[smem:$0x3FD2] =	sst s25  }
0xa6: {  	s5 =	sshll.u32 s26, $0x1;
	_ =	strace $0x80000046;
	[dreg:$0x1] =	wrdreg $0xFFFFFFFF  }
0xa7: {  	s28 =	simm.s32 $_size_execute0_lowered;
	s3 =	sadd.s32 s3, s5;
	[dreg:$0x0] =	wrdreg $0x0  }
0xa8: {  	s5 =	sshll.u32 s28, $0x1;
	[dreg:$0x2] =	wrdreg s3  }
0xa9: {  	[dreg:$0x3] =	wrdreg s5  }
0xaa: {  	[dreg:$0x4] =	wrdreg $0xC0  }
0xab: {  	_ =	task [dreg:s7], $0x5FFFF  }
0xac: {  	[dreg:$0x1] =	wrdreg $0xFFFFFFFF  }
0xad: {  	[dreg:$0x0] =	wrdreg $0x60  }
0xae: {  	[dreg:$0x2] =	wrdreg s2  }
0xaf: {  	[dreg:$0x3] =	wrdreg s24  }
0xb0: {  	[dreg:$0x4] =	wrdreg $0x9  }
0xb1: {  	_ =	task.clear_ibuf [dreg:s7], $0x5FFFF;
	_ =	strace $0x90000046  }
0xb2: {  	s29 =	simm.s32 $0x9;
	_ =	strace $0x80000048  }
0xb3: {  	_ =	swait.ge [sflag:s29], $0x1  }
0xb4: {  	[sflag:s29] =	ssyncadd.s32 $0xFFFFFFFF  }
0xb5: {  	_ =	strace $0x90000048  }
0xb6: {  	_ =	sfence  }
0xb7: {  	s30 =	sld [smem:$0x0];
	_ =	sdelay $0x2  }
0xb8: {  	s31 =	sshll.u32 s1, $0xD;
	s1 =	sshrl.u32 s1, $0x2  }
0xb9: {  	s3 =	sand.u32 $0x4000, s31;
	s1 =	sadd.s32 s1, s30  }
0xba: {  	s0 =	sor.u32 s3, s0;
	s1 =	sshll.u32 s1, $0x11  }
0xbb: {  	s0 =	sor.u32 s1, s0  }
0xbc: {  	s0 =	sadd.s32 $0x8F2B, s0  }
0xbd: {  	[sflag:s0] =	ssyncadd.remote.s32 $0x1  }
0xbe: {  	_ =	sfence.sel $0xFFFF  }
0xbf: {  	[dreg:$0x0] =	wrdreg $0xFFFFFFFF;
	(pc) =	sbr.abs _section_cstart, $3  }
0xc0: {  	[dreg:$0x1] =	wrdreg $0xFFFFFFFF  }
0xc1: {  	_ =	task.clear_ibuf [dreg:s7], $0x2FFFF;
	_ =	strace $0x9FFFFFFF  }
0xc2: {  	(tm) =	ssettm $0x7FFFFFFF  }
0xc3: {  	_ =	shalt  }
tec
execute0_lowered:
.L_overlay_start_1:
0x0: {  	(tag) =	ssettag $0x1  }
0x1: {  	s4 =	rddreg [dreg:$0x0]  }
0x2: {  	s2 =	rddreg [dreg:$0x1]  }
0x3: {  	s0 =	rddreg [dreg:$0x2];
	s1 =	simm.s32 $0x0  }
0x4: {  	s5 =	srdreg.scid;
	s9 =	simm.s32 $0x0;
	[smem:$0x7FF] =	sst s1  }
0x5: {  	s3 =	sadd.s32 $0x400, s2;
	s2 =	stileid.u32;
	s5 =	sand.u32 $0x1, s5  }
0x6: {  	_ =	strace $0x80000047;
	s6 =	ssub.s32 $0x2, s5;
	s7 =	sshll.u32 s2, $0xF  }
0x7: {  	s5 =	sshll.u32 s5, $0xE;
	s30 =	sshll.u32 s2, $0x15;
	s8 =	sshrl.u32 s6, $0x1  }
0x8: {  	s5 =	sor.u32 s5, s7;
	s7 =	simm.s32 $0x1;
	s6 =	ssub.s32 s6, s8  }
0x9: {  	s31 =	sshrl.u32 s5, $0x3;
	s5 =	sor.u32 s5, s30;
	s8 =	simm.s32 $0x4000  }
0xa: {  	s4 =	sadd.s32 s4, s31;
	s5 =	sand.u32 $0x181C000, s5;
	s6 =	smax.u32 s6, $0x1  }
.LBB2_1:
0xb: {  	[tilespmem:s1], [sflag:$0x1] =	stream.linear.gather [hbm4b:s4+s1], $0x4000, $0x38;
	[tilespmem:$0x8000] =	vst v63  }
0xc: {  	_ =	swait.ge [sflag:s7], $0x4000  }
0xd: {  	[sflag:s7] =	ssyncset.done $0x0  }
0xe: {  	s10 =	simm.s32 $0x0;
	s11 =	simm.s32 $0x40;
	[sflag:s7] =	ssyncadd.s32 $0xFFFFC000  }
.LBB2_2:
0xf: {  	p0 =	sne.s32 s11, $0xFFC0;
	v0 =	vld [tilespmem:s10+$0x0];
	_ =	sdelay $0x4  }
0x10: {  	v0 =	vmax.f32 v0, $-1.000000000e+00  }
0x11: {  	v0 =	vmin.f32 v0, $1.000000000e+00  }
.Ltmp0:
0x12: {  	v0 =	vadd.f32 $1.000000000e+00, v0;
	(pc) =	sbr.rel @p0 .LBB2_2-.Ltmp0, $3  }
0x13: {  	_ = 	snop  }
0x14: {  	v0 =	vmul.f32 $3.150000000e+01, v0;
	_ =	sdelay $0x1  }
0x15: {  	[tilespmem:s10+$0x0] =	vst v0;
	s10 =	sshra.s32 s11, $0x2;
	s11 =	sadd.s32 $0x40, s11  }
0x16: {  	v0 =	vld [tilespmem:s10+$0x0];
	_ =	sdelay $0x4  }
0x17: {  	v0 =	vmax.f32 v0, $-1.000000000e+00  }
0x18: {  	v0 =	vmin.f32 v0, $1.000000000e+00  }
0x19: {  	v0 =	vadd.f32 $1.000000000e+00, v0;
	_ =	sdelay $0x1  }
0x1a: {  	v0 =	vmul.f32 $3.150000000e+01, v0;
	_ =	sdelay $0x1  }
0x1b: {  	[tilespmem:s10+$0x0] =	vst v0;
	s10 =	simm.s32 $0x0  }
.LBB2_4:
0x1c: {  	s11 =	simm.s32 $0x0  }
0x1d: {  	v1 =	vld [tilespmem:s11+$0x0];
	_ =	sdelay $0x1  }
0x1e: {  	s12 =	scvt.s32.f32 s10;
	_ =	sdelay $0x1  }
0x1f: {  	v0 =	vmov s12  }
0x20: {  	v1 =	vsub.f32 v1, v0;
	_ =	sdelay $0x1  }
0x21: {  	v1 =	vmax.f32 v1, $-1.000000000e+00  }
0x22: {  	s12 =	simm.s32 $0x10;
	v1 =	vmin.f32 v1, $1.000000000e+00  }
0x23: {  	v2 =	vand.u32 $0x7FFFFFFF, v1;
	v1 =	vld [tilespmem:s12+$0x0];
	_ =	sdelay $0x3  }
0x24: {  	s13 =	simm.s32 $0x80;
	v2 =	vsub.f32 $1.000000000e+00, v2  }
.LBB2_5:
0x25: {  	s14 =	sshra.s32 s13, $0x2;
	p0 =	sne.s32 s13, $0xFFC0;
	s13 =	sadd.s32 $0x40, s13;
	v3 =	vsub.f32 v1, v0  }
.Ltmp1:
0x26: {  	v1 =	vld [tilespmem:s14+$0x0];
	[tilespmem:s11+$0x4000] =	vst v2;
	s11 =	smov.u32 s12;
	s12 =	smov.u32 s14;
	(pc) =	sbr.rel @p0 .LBB2_5-.Ltmp1, $4  }
0x27: {  	v2 =	vmax.f32 v3, $-1.000000000e+00  }
0x28: {  	v2 =	vmin.f32 v2, $1.000000000e+00  }
0x29: {  	v2 =	vand.u32 $0x7FFFFFFF, v2  }
0x2a: {  	v2 =	vsub.f32 $1.000000000e+00, v2  }
0x2b: {  	v0 =	vsub.f32 v1, v0;
	_ =	sdelay $0x1  }
0x2c: {  	v0 =	vmax.f32 v0, $-1.000000000e+00  }
0x2d: {  	v0 =	vmin.f32 v0, $1.000000000e+00  }
0x2e: {  	s13 =	sshll.u32 s10, $0x11;
	v0 =	vand.u32 $0x7FFFFFFF, v0  }
0x2f: {  	s10 =	sadd.s32 $0x1, s10;
	s13 =	sadd.s32 s5, s13;
	v0 =	vsub.f32 $1.000000000e+00, v0  }
0x30: {  	[tilespmem:s11+$0x4000] =	vst v2;
	p0 =	sne.s32 s10, $0x40;
	s31 =	sshrl.u32 s13, $0x3  }
.Ltmp2:
0x31: {  	s11 =	sadd.s32 s3, s31;
	[tilespmem:s12+$0x4000] =	vst v0;
	(pc) =	sbr.rel @p0 .LBB2_4-.Ltmp2, $4  }
0x32: {  	[hbm4b:s11+s1] =	stream.linear.scatter [tilespmem:s8], [sflag:$0x1], $0x4000, $0x38;
	[tilespmem:$0x8000] =	vst v63  }
0x33: {  	_ =	swait.ge [sflag:s7], $0x4000  }
0x34: {  	[sflag:s7] =	ssyncset.done $0x0  }
0x35: {  	[sflag:s7] =	ssyncadd.s32 $0xFFFFC000  }
0x36: {  	s9 =	sadd.s32 $0x1, s9  }
0x37: {  	p0 =	sne.s32 s9, s6  }
.Ltmp3:
0x38: {  	_ = 	snop;
	(pc) =	sbr.rel @p0 .LBB2_1-.Ltmp3, $1  }
0x39: {  	_ =	sdelay $0x3  }
0x3a: {  	_ =	sfence.sel $0x180000  }
0x3b: {  	[bflag:$0x0] =	sbarrier.arrive $0xFFFF  }
0x3c: {  	p0 =	sne.s32 s2, $0x0;
	_ =	strace $0x90000047  }
0x3d: {  	s0 =	sadd.s32 @!p0 $0x100000, s0;
	[bflag:$0x2] =	sbarrier.arrive $0xFFFF  }
0x3e: {  	[sflag:s0] =	ssyncadd.tile.s32 @!p0 $0x1;
	_ =	shalt  }
.Lfunc_end2:
_tile_overlayer_lowered:
.L_overlay_start_2:
0x3f: {  	(tag) =	ssettag $0x2  }
0x40: {  	s0 =	rddreg [dreg:$0x0];
	s2 =	stileid.u32  }
0x41: {  	s1 =	rddreg [dreg:$0x1];
	p0 =	sne.s32 s2, $0x0  }
0x42: {  	s3 =	rddreg [dreg:$0x2];
	[bflag:$0x3] =	sbarrier.arrive $0xFFFF;
	s2 =	simm.s32 @!p0 $0x1C01  }
0x43: {  	[timem:s3], [sflag:s2] =	dma.local @!p0 [hbm:s0], s1  }
0x44: {  	s0 =	simm.s32 @!p0 $0x1  }
0x45: {  	_ =	swait.ge @!p0 [sflag:s0], s1  }
0x46: {  	s1 =	ssub.s32 @!p0 $0x0, s1;
	[sflag:s0] =	ssyncset.done @!p0 $0x0  }
0x47: {  	[sflag:s0] =	ssyncadd.s32 @!p0 s1  }
0x48: {  	[bflag:$0x3] =	sbarrier.arrive $0xFFFF  }
0x49: {  	_ =	shalt  }

</sc_bundles>
